<compile_context>
chip_gen: v7x
topology: tpu7x:2x2x1
jax: 0.10.2.dev20260603
libtpu: 0.0.44.dev20260713+nightly
codegen_flags: <defaults>
</compile_context>

<pallas_src>
import functools

import jax
import jax.numpy as jnp
from jax import lax
from jax.experimental import pallas as pl
from jax.experimental.pallas import tpu as pltpu
from jax.experimental.pallas import tpu_sc as plsc

_NC, _NS = 2, 16
_NW = _NC * _NS

_VOCAB = 1000000
_DIM = 64
_PDIM = 128
_BATCH = 4096
_HIST = 200
_B_FLAT = _BATCH * _HIST

_NBUF = 4


@jax.jit
def _gather(idx2_flat, table2):
    b_per_w = _B_FLAT // _NW
    batches_per_w = _BATCH // _NW
    n_chunks = batches_per_w
    n_rounds = n_chunks // _NBUF
    mesh = plsc.VectorSubcoreMesh(core_axis_name="c", subcore_axis_name="s")

    scratch = [pltpu.VMEM((b_per_w,), jnp.int32)]
    scratch += [pltpu.VMEM((_HIST, _DIM), jnp.float32) for _ in range(_NBUF)]
    scratch += [pltpu.SemaphoreType.DMA for _ in range(2 * _NBUF)]

    @functools.partial(
        pl.kernel,
        out_type=jax.ShapeDtypeStruct((_BATCH, _HIST, _PDIM), jnp.float32),
        mesh=mesh,
        scratch_types=scratch,
        compiler_params=pltpu.CompilerParams(use_tc_tiling_on_sc=False),
    )
    def gather_kernel(idx_hbm, table_hbm, out_hbm, idx_v, *bufs_and_sems):
        bufs = bufs_and_sems[:_NBUF]
        gsems = bufs_and_sems[_NBUF : 2 * _NBUF]
        osems = bufs_and_sems[2 * _NBUF :]

        wid = lax.axis_index("s") * _NC + lax.axis_index("c")
        base = wid * b_per_w
        bbase = wid * batches_per_w
        pltpu.sync_copy(idx_hbm.at[pl.ds(base, b_per_w)], idx_v)

        def gather_start(c, k):
            return pltpu.async_copy(
                table_hbm.at[idx_v.at[pl.ds(c * _HIST, _HIST)]], bufs[k], gsems[k]
            )

        def gather_wait(k):
            pltpu.make_async_copy(
                table_hbm.at[idx_v.at[pl.ds(0, _HIST)]], bufs[k], gsems[k]
            ).wait()

        for k in range(_NBUF):
            gather_start(k, k)

        def round_body(r, carry):
            for k in range(_NBUF):
                c = r * _NBUF + k
                gather_wait(k)
                pltpu.async_copy(
                    bufs[k],
                    out_hbm.at[bbase + c].at[:, pl.ds(0, _DIM)],
                    osems[k],
                ).wait()

                @pl.when(c + _NBUF < n_chunks)
                def _():
                    gather_start(c + _NBUF, k)

            return carry

        lax.fori_loop(0, n_rounds, round_body, 0)

    return gather_kernel(idx2_flat, table2)


def kernel(batchinput, table):
    idx2_flat = batchinput.reshape(-1).astype(jnp.int32) * 2
    table2 = jnp.pad(table, ((0, 0), (0, _PDIM - _DIM))).reshape(2 * _VOCAB, _DIM)
    out128 = _gather(idx2_flat, table2)
    return out128[:, :, :_DIM]

# --- scband reference (transcript-rebuilt; emitter-appended) ---
"""Pipeline reference for scband-embedding-template-6682969113342 (READ-ONLY COPY).

The authoritative reference and input builder live on the scoring server;
editing this copy changes nothing except your own understanding.
"""

import jax, jax.numpy as jnp
import numpy as np

VOCAB = 1000000
EMBED_DIM = 64
BATCH = 4096
HIST = 200

def setup_inputs(seed: int = 0) -> dict:
    key = jax.random.key(seed)
    k_idx, k_w = jax.random.split(key)
    batchinput = jax.random.randint(k_idx, (BATCH, HIST), 0, VOCAB, dtype=jnp.int64 if jax.config.jax_enable_x64 else jnp.int32)
    # xavier uniform init for embedding table, matching nn.init.xavier_uniform_
    fan_in, fan_out = VOCAB, EMBED_DIM
    limit = float(np.sqrt(6.0 / (fan_in + fan_out)))
    table = jax.random.uniform(k_w, (VOCAB, EMBED_DIM), dtype=jnp.float32, minval=-limit, maxval=limit)
    return {"batchinput": batchinput, "table": table}

def reference(batchinput, table):
    # nn.Embedding lookup; dropout p=0.0 is identity (eval/inference)
    embed_out = jnp.take(table, batchinput, axis=0)
    return embed_out

if __name__ == "__main__":
    import jax
    _d = setup_inputs()
    print(jax.jit(kernel)(*tuple(_d.values())))

</pallas_src>

<mosaic_0001>
#map = affine_map<(d0, d1) -> (0)>
#map1 = affine_map<(d0, d1) -> (0, 0)>
#map2 = affine_map<(d0, d1) -> (0, 0, 0)>
module attributes {stable_mosaic.version = 14 : i64} {
  func.func @gather_kernel(%arg0: i32, %arg1: i32, %arg2: memref<819200xi32, #tpu.memory_space<hbm>>, %arg3: memref<2000000x64xf32, #tpu.memory_space<hbm>>, %arg4: memref<4096x200x128xf32, #tpu.memory_space<hbm>>, %arg5: memref<25600xi32, #tpu.memory_space<vmem>>, %arg6: memref<200x64xf32, #tpu.memory_space<vmem>>, %arg7: memref<200x64xf32, #tpu.memory_space<vmem>>, %arg8: memref<200x64xf32, #tpu.memory_space<vmem>>, %arg9: memref<200x64xf32, #tpu.memory_space<vmem>>, %arg10: memref<!tpu.dma_semaphore, #tpu.memory_space<semaphore_mem>>, %arg11: memref<!tpu.dma_semaphore, #tpu.memory_space<semaphore_mem>>, %arg12: memref<!tpu.dma_semaphore, #tpu.memory_space<semaphore_mem>>, %arg13: memref<!tpu.dma_semaphore, #tpu.memory_space<semaphore_mem>>, %arg14: memref<!tpu.dma_semaphore, #tpu.memory_space<semaphore_mem>>, %arg15: memref<!tpu.dma_semaphore, #tpu.memory_space<semaphore_mem>>, %arg16: memref<!tpu.dma_semaphore, #tpu.memory_space<semaphore_mem>>, %arg17: memref<!tpu.dma_semaphore, #tpu.memory_space<semaphore_mem>>) attributes {dimension_semantics = [#tpu.dimension_semantics<core_parallel>, #tpu.dimension_semantics<subcore_parallel>], iteration_bounds = array<i64: 2, 16>, scalar_prefetch = 0 : i64, scratch_operands = 13 : i64, tpu.core_type = #tpu.core_type<sc_vector_subcore>, window_params = [{transform_indices = #map}, {transform_indices = #map1}, {transform_indices = #map2}]} {
    %mul3A = arith.constant 2 : i32
    %mul3A_0 = arith.muli %arg1, %mul3A : i32
    %add3A = arith.addi %mul3A_0, %arg0 : i32
    %mul3A_1 = arith.constant 25600 : i32
    %mul3A_2 = arith.muli %add3A, %mul3A_1 : i32
    %mul3A_3 = arith.constant 128 : i32
    %mul3A_4 = arith.muli %add3A, %mul3A_3 : i32
    "tpu.region"() ({
      %run_scoped3A = tpu.sem_alloc : memref<!tpu.dma_semaphore, #tpu.memory_space<semaphore_mem>>
      %dma_start3A_29 = tpu.memref_slice %arg2[%mul3A_2] : memref<819200xi32, #tpu.memory_space<hbm>> -> memref<25600xi32, #tpu.memory_space<hbm>>
      %dma_start3A_30 = tpu.memref_slice %arg2[%mul3A_2] : memref<819200xi32, #tpu.memory_space<hbm>> -> memref<25600xi32, #tpu.memory_space<hbm>>
      tpu.enqueue_dma source(%dma_start3A_30 : memref<25600xi32, #tpu.memory_space<hbm>>) target(%arg5 : memref<25600xi32, #tpu.memory_space<vmem>>) target_semaphore(%run_scoped3A : memref<!tpu.dma_semaphore, #tpu.memory_space<semaphore_mem>>)
      %dma_wait3A = tpu.memref_slice %arg2[%mul3A_2] : memref<819200xi32, #tpu.memory_space<hbm>> -> memref<25600xi32, #tpu.memory_space<hbm>>
      %dma_wait3A_31 = tpu.memref_slice %arg2[%mul3A_2] : memref<819200xi32, #tpu.memory_space<hbm>> -> memref<25600xi32, #tpu.memory_space<hbm>>
      tpu.wait_dma2 semaphore(%run_scoped3A : memref<!tpu.dma_semaphore, #tpu.memory_space<semaphore_mem>>) src(%dma_wait3A_31 : memref<25600xi32, #tpu.memory_space<hbm>>) dst(%arg5 : memref<25600xi32, #tpu.memory_space<vmem>>)
      tpu.yield
    }) : () -> ()
    %dma_start3A = arith.constant 0 : i32
    %dma_start3A_5 = tpu.memref_slice %arg5[%dma_start3A] : memref<25600xi32, #tpu.memory_space<vmem>> -> memref<200xi32, #tpu.memory_space<vmem>>
    %dma_start3A_6 = arith.constant 0 : i32
    %dma_start3A_7 = arith.constant 0 : i32
    %dma_start3A_8 = tpu.memref_slice %arg3[%dma_start3A_6, %dma_start3A_7] : memref<2000000x64xf32, #tpu.memory_space<hbm>> -> memref<2000000x64xf32, #tpu.memory_space<hbm>>
    tpu.enqueue_indirect_dma source(%dma_start3A_8 : memref<2000000x64xf32, #tpu.memory_space<hbm>>) target(%arg6 : memref<200x64xf32, #tpu.memory_space<vmem>>) offsets(%dma_start3A_5 : memref<200xi32, #tpu.memory_space<vmem>>) semaphore(%arg10 : memref<!tpu.dma_semaphore, #tpu.memory_space<semaphore_mem>>)
    %dma_start3A_9 = arith.constant 200 : i32
    %dma_start3A_10 = tpu.memref_slice %arg5[%dma_start3A_9] : memref<25600xi32, #tpu.memory_space<vmem>> -> memref<200xi32, #tpu.memory_space<vmem>>
    %dma_start3A_11 = arith.constant 0 : i32
    %dma_start3A_12 = arith.constant 0 : i32
    %dma_start3A_13 = tpu.memref_slice %arg3[%dma_start3A_11, %dma_start3A_12] : memref<2000000x64xf32, #tpu.memory_space<hbm>> -> memref<2000000x64xf32, #tpu.memory_space<hbm>>
    tpu.enqueue_indirect_dma source(%dma_start3A_13 : memref<2000000x64xf32, #tpu.memory_space<hbm>>) target(%arg7 : memref<200x64xf32, #tpu.memory_space<vmem>>) offsets(%dma_start3A_10 : memref<200xi32, #tpu.memory_space<vmem>>) semaphore(%arg11 : memref<!tpu.dma_semaphore, #tpu.memory_space<semaphore_mem>>)
    %dma_start3A_14 = arith.constant 400 : i32
    %dma_start3A_15 = tpu.memref_slice %arg5[%dma_start3A_14] : memref<25600xi32, #tpu.memory_space<vmem>> -> memref<200xi32, #tpu.memory_space<vmem>>
    %dma_start3A_16 = arith.constant 0 : i32
    %dma_start3A_17 = arith.constant 0 : i32
    %dma_start3A_18 = tpu.memref_slice %arg3[%dma_start3A_16, %dma_start3A_17] : memref<2000000x64xf32, #tpu.memory_space<hbm>> -> memref<2000000x64xf32, #tpu.memory_space<hbm>>
    tpu.enqueue_indirect_dma source(%dma_start3A_18 : memref<2000000x64xf32, #tpu.memory_space<hbm>>) target(%arg8 : memref<200x64xf32, #tpu.memory_space<vmem>>) offsets(%dma_start3A_15 : memref<200xi32, #tpu.memory_space<vmem>>) semaphore(%arg12 : memref<!tpu.dma_semaphore, #tpu.memory_space<semaphore_mem>>)
    %dma_start3A_19 = arith.constant 600 : i32
    %dma_start3A_20 = tpu.memref_slice %arg5[%dma_start3A_19] : memref<25600xi32, #tpu.memory_space<vmem>> -> memref<200xi32, #tpu.memory_space<vmem>>
    %dma_start3A_21 = arith.constant 0 : i32
    %dma_start3A_22 = arith.constant 0 : i32
    %dma_start3A_23 = tpu.memref_slice %arg3[%dma_start3A_21, %dma_start3A_22] : memref<2000000x64xf32, #tpu.memory_space<hbm>> -> memref<2000000x64xf32, #tpu.memory_space<hbm>>
    tpu.enqueue_indirect_dma source(%dma_start3A_23 : memref<2000000x64xf32, #tpu.memory_space<hbm>>) target(%arg9 : memref<200x64xf32, #tpu.memory_space<vmem>>) offsets(%dma_start3A_20 : memref<200xi32, #tpu.memory_space<vmem>>) semaphore(%arg13 : memref<!tpu.dma_semaphore, #tpu.memory_space<semaphore_mem>>)
    %scan3A = arith.constant 0 : i32
    %scan3A_24 = arith.constant 0 : i32
    %scan3A_25 = arith.constant 32 : i32
    %scan3A_26 = arith.addi %scan3A_24, %scan3A_25 : i32
    %scan3A_27 = arith.constant 1 : i32
    scf.for %scan3A_29 = %scan3A_24 to %scan3A_26 step %scan3A_27  : i32 {
      %mul3A_30 = arith.constant 4 : i32
      %mul3A_31 = arith.muli %scan3A_29, %mul3A_30 : i32
      %add3A_32 = arith.constant 0 : i32
      %add3A_33 = arith.addi %mul3A_31, %add3A_32 : i32
      %dma_wait3A = arith.constant 0 : i32
      %dma_wait3A_34 = tpu.memref_slice %arg5[%dma_wait3A] : memref<25600xi32, #tpu.memory_space<vmem>> -> memref<200xi32, #tpu.memory_space<vmem>>
      %dma_wait3A_35 = arith.constant 0 : i32
      %dma_wait3A_36 = arith.constant 0 : i32
      %dma_wait3A_37 = tpu.memref_slice %arg3[%dma_wait3A_35, %dma_wait3A_36] : memref<2000000x64xf32, #tpu.memory_space<hbm>> -> memref<2000000x64xf32, #tpu.memory_space<hbm>>
      tpu.wait_indirect_dma semaphore(%arg10 : memref<!tpu.dma_semaphore, #tpu.memory_space<semaphore_mem>>) src(%dma_wait3A_37 : memref<2000000x64xf32, #tpu.memory_space<hbm>>) dst(%arg6 : memref<200x64xf32, #tpu.memory_space<vmem>>)
      %add3A_38 = arith.addi %mul3A_4, %add3A_33 : i32
      %dma_start3A_39 = arith.constant 0 : i32
      %dma_start3A_40 = arith.constant 0 : i32
      %dma_start3A_41 = tpu.memref_slice %arg4[%add3A_38, %dma_start3A_39, %dma_start3A_40] : memref<4096x200x128xf32, #tpu.memory_space<hbm>> -> memref<1x200x128xf32, #tpu.memory_space<hbm>>
      %dma_start3A_42 = tpu.memref_squeeze %dma_start3A_41 : memref<1x200x128xf32, #tpu.memory_space<hbm>> -> memref<200x128xf32, #tpu.memory_space<hbm>>
      %dma_start3A_43 = arith.constant 0 : i32
      %dma_start3A_44 = arith.constant 0 : i32
      %dma_start3A_45 = tpu.memref_slice %dma_start3A_42[%dma_start3A_43, %dma_start3A_44] : memref<200x128xf32, #tpu.memory_space<hbm>> -> memref<200x64xf32, #tpu.memory_space<hbm>>
      %dma_start3A_46 = arith.constant 0 : i32
      %dma_start3A_47 = arith.constant 0 : i32
      %dma_start3A_48 = tpu.memref_slice %arg4[%add3A_38, %dma_start3A_46, %dma_start3A_47] : memref<4096x200x128xf32, #tpu.memory_space<hbm>> -> memref<1x200x128xf32, #tpu.memory_space<hbm>>
      %dma_start3A_49 = tpu.memref_squeeze %dma_start3A_48 : memref<1x200x128xf32, #tpu.memory_space<hbm>> -> memref<200x128xf32, #tpu.memory_space<hbm>>
      %dma_start3A_50 = arith.constant 0 : i32
      %dma_start3A_51 = arith.constant 0 : i32
      %dma_start3A_52 = tpu.memref_slice %dma_start3A_49[%dma_start3A_50, %dma_start3A_51] : memref<200x128xf32, #tpu.memory_space<hbm>> -> memref<200x64xf32, #tpu.memory_space<hbm>>
      tpu.enqueue_dma source(%arg6 : memref<200x64xf32, #tpu.memory_space<vmem>>) target(%dma_start3A_52 : memref<200x64xf32, #tpu.memory_space<hbm>>) target_semaphore(%arg14 : memref<!tpu.dma_semaphore, #tpu.memory_space<semaphore_mem>>)
      %dma_wait3A_53 = arith.constant 0 : i32
      %dma_wait3A_54 = arith.constant 0 : i32
      %dma_wait3A_55 = tpu.memref_slice %arg4[%add3A_38, %dma_wait3A_53, %dma_wait3A_54] : memref<4096x200x128xf32, #tpu.memory_space<hbm>> -> memref<1x200x128xf32, #tpu.memory_space<hbm>>
      %dma_wait3A_56 = tpu.memref_squeeze %dma_wait3A_55 : memref<1x200x128xf32, #tpu.memory_space<hbm>> -> memref<200x128xf32, #tpu.memory_space<hbm>>
      %dma_wait3A_57 = arith.constant 0 : i32
      %dma_wait3A_58 = arith.constant 0 : i32
      %dma_wait3A_59 = tpu.memref_slice %dma_wait3A_56[%dma_wait3A_57, %dma_wait3A_58] : memref<200x128xf32, #tpu.memory_space<hbm>> -> memref<200x64xf32, #tpu.memory_space<hbm>>
      %dma_wait3A_60 = arith.constant 0 : i32
      %dma_wait3A_61 = arith.constant 0 : i32
      %dma_wait3A_62 = tpu.memref_slice %arg4[%add3A_38, %dma_wait3A_60, %dma_wait3A_61] : memref<4096x200x128xf32, #tpu.memory_space<hbm>> -> memref<1x200x128xf32, #tpu.memory_space<hbm>>
      %dma_wait3A_63 = tpu.memref_squeeze %dma_wait3A_62 : memref<1x200x128xf32, #tpu.memory_space<hbm>> -> memref<200x128xf32, #tpu.memory_space<hbm>>
      %dma_wait3A_64 = arith.constant 0 : i32
      %dma_wait3A_65 = arith.constant 0 : i32
      %dma_wait3A_66 = tpu.memref_slice %dma_wait3A_63[%dma_wait3A_64, %dma_wait3A_65] : memref<200x128xf32, #tpu.memory_space<hbm>> -> memref<200x64xf32, #tpu.memory_space<hbm>>
      tpu.wait_dma2 semaphore(%arg14 : memref<!tpu.dma_semaphore, #tpu.memory_space<semaphore_mem>>) src(%arg6 : memref<200x64xf32, #tpu.memory_space<vmem>>) dst(%dma_wait3A_66 : memref<200x64xf32, #tpu.memory_space<hbm>>)
      %add3A_67 = arith.constant 4 : i32
      %add3A_68 = arith.addi %add3A_33, %add3A_67 : i32
      %lt3A = arith.constant 128 : i32
      %lt3A_69 = arith.cmpi slt, %add3A_68, %lt3A : i32
      %convert_element_type3A = arith.extui %lt3A_69 : i1 to i32
      %cond3A = arith.constant 0 : i32
      %cond3A_70 = arith.cmpi ne, %convert_element_type3A, %cond3A : i32
      scf.if %cond3A_70 {
        %add3A_206 = arith.constant 4 : i32
        %add3A_207 = arith.addi %add3A_33, %add3A_206 : i32
        %mul3A_208 = arith.constant 200 : i32
        %mul3A_209 = arith.muli %add3A_207, %mul3A_208 : i32
        %dma_start3A_210 = tpu.memref_slice %arg5[%mul3A_209] : memref<25600xi32, #tpu.memory_space<vmem>> -> memref<200xi32, #tpu.memory_space<vmem>>
        %dma_start3A_211 = arith.constant 0 : i32
        %dma_start3A_212 = arith.constant 0 : i32
        %dma_start3A_213 = tpu.memref_slice %arg3[%dma_start3A_211, %dma_start3A_212] : memref<2000000x64xf32, #tpu.memory_space<hbm>> -> memref<2000000x64xf32, #tpu.memory_space<hbm>>
        tpu.enqueue_indirect_dma source(%dma_start3A_213 : memref<2000000x64xf32, #tpu.memory_space<hbm>>) target(%arg6 : memref<200x64xf32, #tpu.memory_space<vmem>>) offsets(%dma_start3A_210 : memref<200xi32, #tpu.memory_space<vmem>>) semaphore(%arg10 : memref<!tpu.dma_semaphore, #tpu.memory_space<semaphore_mem>>)
      } else {
      }
      %mul3A_71 = arith.constant 4 : i32
      %mul3A_72 = arith.muli %scan3A_29, %mul3A_71 : i32
      %add3A_73 = arith.constant 1 : i32
      %add3A_74 = arith.addi %mul3A_72, %add3A_73 : i32
      %dma_wait3A_75 = arith.constant 0 : i32
      %dma_wait3A_76 = tpu.memref_slice %arg5[%dma_wait3A_75] : memref<25600xi32, #tpu.memory_space<vmem>> -> memref<200xi32, #tpu.memory_space<vmem>>
      %dma_wait3A_77 = arith.constant 0 : i32
      %dma_wait3A_78 = arith.constant 0 : i32
      %dma_wait3A_79 = tpu.memref_slice %arg3[%dma_wait3A_77, %dma_wait3A_78] : memref<2000000x64xf32, #tpu.memory_space<hbm>> -> memref<2000000x64xf32, #tpu.memory_space<hbm>>
      tpu.wait_indirect_dma semaphore(%arg11 : memref<!tpu.dma_semaphore, #tpu.memory_space<semaphore_mem>>) src(%dma_wait3A_79 : memref<2000000x64xf32, #tpu.memory_space<hbm>>) dst(%arg7 : memref<200x64xf32, #tpu.memory_space<vmem>>)
      %add3A_80 = arith.addi %mul3A_4, %add3A_74 : i32
      %dma_start3A_81 = arith.constant 0 : i32
      %dma_start3A_82 = arith.constant 0 : i32
      %dma_start3A_83 = tpu.memref_slice %arg4[%add3A_80, %dma_start3A_81, %dma_start3A_82] : memref<4096x200x128xf32, #tpu.memory_space<hbm>> -> memref<1x200x128xf32, #tpu.memory_space<hbm>>
      %dma_start3A_84 = tpu.memref_squeeze %dma_start3A_83 : memref<1x200x128xf32, #tpu.memory_space<hbm>> -> memref<200x128xf32, #tpu.memory_space<hbm>>
      %dma_start3A_85 = arith.constant 0 : i32
      %dma_start3A_86 = arith.constant 0 : i32
      %dma_start3A_87 = tpu.memref_slice %dma_start3A_84[%dma_start3A_85, %dma_start3A_86] : memref<200x128xf32, #tpu.memory_space<hbm>> -> memref<200x64xf32, #tpu.memory_space<hbm>>
      %dma_start3A_88 = arith.constant 0 : i32
      %dma_start3A_89 = arith.constant 0 : i32
      %dma_start3A_90 = tpu.memref_slice %arg4[%add3A_80, %dma_start3A_88, %dma_start3A_89] : memref<4096x200x128xf32, #tpu.memory_space<hbm>> -> memref<1x200x128xf32, #tpu.memory_space<hbm>>
      %dma_start3A_91 = tpu.memref_squeeze %dma_start3A_90 : memref<1x200x128xf32, #tpu.memory_space<hbm>> -> memref<200x128xf32, #tpu.memory_space<hbm>>
      %dma_start3A_92 = arith.constant 0 : i32
      %dma_start3A_93 = arith.constant 0 : i32
      %dma_start3A_94 = tpu.memref_slice %dma_start3A_91[%dma_start3A_92, %dma_start3A_93] : memref<200x128xf32, #tpu.memory_space<hbm>> -> memref<200x64xf32, #tpu.memory_space<hbm>>
      tpu.enqueue_dma source(%arg7 : memref<200x64xf32, #tpu.memory_space<vmem>>) target(%dma_start3A_94 : memref<200x64xf32, #tpu.memory_space<hbm>>) target_semaphore(%arg15 : memref<!tpu.dma_semaphore, #tpu.memory_space<semaphore_mem>>)
      %dma_wait3A_95 = arith.constant 0 : i32
      %dma_wait3A_96 = arith.constant 0 : i32
      %dma_wait3A_97 = tpu.memref_slice %arg4[%add3A_80, %dma_wait3A_95, %dma_wait3A_96] : memref<4096x200x128xf32, #tpu.memory_space<hbm>> -> memref<1x200x128xf32, #tpu.memory_space<hbm>>
      %dma_wait3A_98 = tpu.memref_squeeze %dma_wait3A_97 : memref<1x200x128xf32, #tpu.memory_space<hbm>> -> memref<200x128xf32, #tpu.memory_space<hbm>>
      %dma_wait3A_99 = arith.constant 0 : i32
      %dma_wait3A_100 = arith.constant 0 : i32
      %dma_wait3A_101 = tpu.memref_slice %dma_wait3A_98[%dma_wait3A_99, %dma_wait3A_100] : memref<200x128xf32, #tpu.memory_space<hbm>> -> memref<200x64xf32, #tpu.memory_space<hbm>>
      %dma_wait3A_102 = arith.constant 0 : i32
      %dma_wait3A_103 = arith.constant 0 : i32
      %dma_wait3A_104 = tpu.memref_slice %arg4[%add3A_80, %dma_wait3A_102, %dma_wait3A_103] : memref<4096x200x128xf32, #tpu.memory_space<hbm>> -> memref<1x200x128xf32, #tpu.memory_space<hbm>>
      %dma_wait3A_105 = tpu.memref_squeeze %dma_wait3A_104 : memref<1x200x128xf32, #tpu.memory_space<hbm>> -> memref<200x128xf32, #tpu.memory_space<hbm>>
      %dma_wait3A_106 = arith.constant 0 : i32
      %dma_wait3A_107 = arith.constant 0 : i32
      %dma_wait3A_108 = tpu.memref_slice %dma_wait3A_105[%dma_wait3A_106, %dma_wait3A_107] : memref<200x128xf32, #tpu.memory_space<hbm>> -> memref<200x64xf32, #tpu.memory_space<hbm>>
      tpu.wait_dma2 semaphore(%arg15 : memref<!tpu.dma_semaphore, #tpu.memory_space<semaphore_mem>>) src(%arg7 : memref<200x64xf32, #tpu.memory_space<vmem>>) dst(%dma_wait3A_108 : memref<200x64xf32, #tpu.memory_space<hbm>>)
      %add3A_109 = arith.constant 4 : i32
      %add3A_110 = arith.addi %add3A_74, %add3A_109 : i32
      %lt3A_111 = arith.constant 128 : i32
      %lt3A_112 = arith.cmpi slt, %add3A_110, %lt3A_111 : i32
      %convert_element_type3A_113 = arith.extui %lt3A_112 : i1 to i32
      %cond3A_114 = arith.constant 0 : i32
      %cond3A_115 = arith.cmpi ne, %convert_element_type3A_113, %cond3A_114 : i32
      scf.if %cond3A_115 {
        %add3A_206 = arith.constant 4 : i32
        %add3A_207 = arith.addi %add3A_74, %add3A_206 : i32
        %mul3A_208 = arith.constant 200 : i32
        %mul3A_209 = arith.muli %add3A_207, %mul3A_208 : i32
        %dma_start3A_210 = tpu.memref_slice %arg5[%mul3A_209] : memref<25600xi32, #tpu.memory_space<vmem>> -> memref<200xi32, #tpu.memory_space<vmem>>
        %dma_start3A_211 = arith.constant 0 : i32
        %dma_start3A_212 = arith.constant 0 : i32
        %dma_start3A_213 = tpu.memref_slice %arg3[%dma_start3A_211, %dma_start3A_212] : memref<2000000x64xf32, #tpu.memory_space<hbm>> -> memref<2000000x64xf32, #tpu.memory_space<hbm>>
        tpu.enqueue_indirect_dma source(%dma_start3A_213 : memref<2000000x64xf32, #tpu.memory_space<hbm>>) target(%arg7 : memref<200x64xf32, #tpu.memory_space<vmem>>) offsets(%dma_start3A_210 : memref<200xi32, #tpu.memory_space<vmem>>) semaphore(%arg11 : memref<!tpu.dma_semaphore, #tpu.memory_space<semaphore_mem>>)
      } else {
      }
      %mul3A_116 = arith.constant 4 : i32
      %mul3A_117 = arith.muli %scan3A_29, %mul3A_116 : i32
      %add3A_118 = arith.constant 2 : i32
      %add3A_119 = arith.addi %mul3A_117, %add3A_118 : i32
      %dma_wait3A_120 = arith.constant 0 : i32
      %dma_wait3A_121 = tpu.memref_slice %arg5[%dma_wait3A_120] : memref<25600xi32, #tpu.memory_space<vmem>> -> memref<200xi32, #tpu.memory_space<vmem>>
      %dma_wait3A_122 = arith.constant 0 : i32
      %dma_wait3A_123 = arith.constant 0 : i32
      %dma_wait3A_124 = tpu.memref_slice %arg3[%dma_wait3A_122, %dma_wait3A_123] : memref<2000000x64xf32, #tpu.memory_space<hbm>> -> memref<2000000x64xf32, #tpu.memory_space<hbm>>
      tpu.wait_indirect_dma semaphore(%arg12 : memref<!tpu.dma_semaphore, #tpu.memory_space<semaphore_mem>>) src(%dma_wait3A_124 : memref<2000000x64xf32, #tpu.memory_space<hbm>>) dst(%arg8 : memref<200x64xf32, #tpu.memory_space<vmem>>)
      %add3A_125 = arith.addi %mul3A_4, %add3A_119 : i32
      %dma_start3A_126 = arith.constant 0 : i32
      %dma_start3A_127 = arith.constant 0 : i32
      %dma_start3A_128 = tpu.memref_slice %arg4[%add3A_125, %dma_start3A_126, %dma_start3A_127] : memref<4096x200x128xf32, #tpu.memory_space<hbm>> -> memref<1x200x128xf32, #tpu.memory_space<hbm>>
      %dma_start3A_129 = tpu.memref_squeeze %dma_start3A_128 : memref<1x200x128xf32, #tpu.memory_space<hbm>> -> memref<200x128xf32, #tpu.memory_space<hbm>>
      %dma_start3A_130 = arith.constant 0 : i32
      %dma_start3A_131 = arith.constant 0 : i32
      %dma_start3A_132 = tpu.memref_slice %dma_start3A_129[%dma_start3A_130, %dma_start3A_131] : memref<200x128xf32, #tpu.memory_space<hbm>> -> memref<200x64xf32, #tpu.memory_space<hbm>>
      %dma_start3A_133 = arith.constant 0 : i32
      %dma_start3A_134 = arith.constant 0 : i32
      %dma_start3A_135 = tpu.memref_slice %arg4[%add3A_125, %dma_start3A_133, %dma_start3A_134] : memref<4096x200x128xf32, #tpu.memory_space<hbm>> -> memref<1x200x128xf32, #tpu.memory_space<hbm>>
      %dma_start3A_136 = tpu.memref_squeeze %dma_start3A_135 : memref<1x200x128xf32, #tpu.memory_space<hbm>> -> memref<200x128xf32, #tpu.memory_space<hbm>>
      %dma_start3A_137 = arith.constant 0 : i32
      %dma_start3A_138 = arith.constant 0 : i32
      %dma_start3A_139 = tpu.memref_slice %dma_start3A_136[%dma_start3A_137, %dma_start3A_138] : memref<200x128xf32, #tpu.memory_space<hbm>> -> memref<200x64xf32, #tpu.memory_space<hbm>>
      tpu.enqueue_dma source(%arg8 : memref<200x64xf32, #tpu.memory_space<vmem>>) target(%dma_start3A_139 : memref<200x64xf32, #tpu.memory_space<hbm>>) target_semaphore(%arg16 : memref<!tpu.dma_semaphore, #tpu.memory_space<semaphore_mem>>)
      %dma_wait3A_140 = arith.constant 0 : i32
      %dma_wait3A_141 = arith.constant 0 : i32
      %dma_wait3A_142 = tpu.memref_slice %arg4[%add3A_125, %dma_wait3A_140, %dma_wait3A_141] : memref<4096x200x128xf32, #tpu.memory_space<hbm>> -> memref<1x200x128xf32, #tpu.memory_space<hbm>>
      %dma_wait3A_143 = tpu.memref_squeeze %dma_wait3A_142 : memref<1x200x128xf32, #tpu.memory_space<hbm>> -> memref<200x128xf32, #tpu.memory_space<hbm>>
      %dma_wait3A_144 = arith.constant 0 : i32
      %dma_wait3A_145 = arith.constant 0 : i32
      %dma_wait3A_146 = tpu.memref_slice %dma_wait3A_143[%dma_wait3A_144, %dma_wait3A_145] : memref<200x128xf32, #tpu.memory_space<hbm>> -> memref<200x64xf32, #tpu.memory_space<hbm>>
      %dma_wait3A_147 = arith.constant 0 : i32
      %dma_wait3A_148 = arith.constant 0 : i32
      %dma_wait3A_149 = tpu.memref_slice %arg4[%add3A_125, %dma_wait3A_147, %dma_wait3A_148] : memref<4096x200x128xf32, #tpu.memory_space<hbm>> -> memref<1x200x128xf32, #tpu.memory_space<hbm>>
      %dma_wait3A_150 = tpu.memref_squeeze %dma_wait3A_149 : memref<1x200x128xf32, #tpu.memory_space<hbm>> -> memref<200x128xf32, #tpu.memory_space<hbm>>
      %dma_wait3A_151 = arith.constant 0 : i32
      %dma_wait3A_152 = arith.constant 0 : i32
      %dma_wait3A_153 = tpu.memref_slice %dma_wait3A_150[%dma_wait3A_151, %dma_wait3A_152] : memref<200x128xf32, #tpu.memory_space<hbm>> -> memref<200x64xf32, #tpu.memory_space<hbm>>
      tpu.wait_dma2 semaphore(%arg16 : memref<!tpu.dma_semaphore, #tpu.memory_space<semaphore_mem>>) src(%arg8 : memref<200x64xf32, #tpu.memory_space<vmem>>) dst(%dma_wait3A_153 : memref<200x64xf32, #tpu.memory_space<hbm>>)
      %add3A_154 = arith.constant 4 : i32
      %add3A_155 = arith.addi %add3A_119, %add3A_154 : i32
      %lt3A_156 = arith.constant 128 : i32
      %lt3A_157 = arith.cmpi slt, %add3A_155, %lt3A_156 : i32
      %convert_element_type3A_158 = arith.extui %lt3A_157 : i1 to i32
      %cond3A_159 = arith.constant 0 : i32
      %cond3A_160 = arith.cmpi ne, %convert_element_type3A_158, %cond3A_159 : i32
      scf.if %cond3A_160 {
        %add3A_206 = arith.constant 4 : i32
        %add3A_207 = arith.addi %add3A_119, %add3A_206 : i32
        %mul3A_208 = arith.constant 200 : i32
        %mul3A_209 = arith.muli %add3A_207, %mul3A_208 : i32
        %dma_start3A_210 = tpu.memref_slice %arg5[%mul3A_209] : memref<25600xi32, #tpu.memory_space<vmem>> -> memref<200xi32, #tpu.memory_space<vmem>>
        %dma_start3A_211 = arith.constant 0 : i32
        %dma_start3A_212 = arith.constant 0 : i32
        %dma_start3A_213 = tpu.memref_slice %arg3[%dma_start3A_211, %dma_start3A_212] : memref<2000000x64xf32, #tpu.memory_space<hbm>> -> memref<2000000x64xf32, #tpu.memory_space<hbm>>
        tpu.enqueue_indirect_dma source(%dma_start3A_213 : memref<2000000x64xf32, #tpu.memory_space<hbm>>) target(%arg8 : memref<200x64xf32, #tpu.memory_space<vmem>>) offsets(%dma_start3A_210 : memref<200xi32, #tpu.memory_space<vmem>>) semaphore(%arg12 : memref<!tpu.dma_semaphore, #tpu.memory_space<semaphore_mem>>)
      } else {
      }
      %mul3A_161 = arith.constant 4 : i32
      %mul3A_162 = arith.muli %scan3A_29, %mul3A_161 : i32
      %add3A_163 = arith.constant 3 : i32
      %add3A_164 = arith.addi %mul3A_162, %add3A_163 : i32
      %dma_wait3A_165 = arith.constant 0 : i32
      %dma_wait3A_166 = tpu.memref_slice %arg5[%dma_wait3A_165] : memref<25600xi32, #tpu.memory_space<vmem>> -> memref<200xi32, #tpu.memory_space<vmem>>
      %dma_wait3A_167 = arith.constant 0 : i32
      %dma_wait3A_168 = arith.constant 0 : i32
      %dma_wait3A_169 = tpu.memref_slice %arg3[%dma_wait3A_167, %dma_wait3A_168] : memref<2000000x64xf32, #tpu.memory_space<hbm>> -> memref<2000000x64xf32, #tpu.memory_space<hbm>>
      tpu.wait_indirect_dma semaphore(%arg13 : memref<!tpu.dma_semaphore, #tpu.memory_space<semaphore_mem>>) src(%dma_wait3A_169 : memref<2000000x64xf32, #tpu.memory_space<hbm>>) dst(%arg9 : memref<200x64xf32, #tpu.memory_space<vmem>>)
      %add3A_170 = arith.addi %mul3A_4, %add3A_164 : i32
      %dma_start3A_171 = arith.constant 0 : i32
      %dma_start3A_172 = arith.constant 0 : i32
      %dma_start3A_173 = tpu.memref_slice %arg4[%add3A_170, %dma_start3A_171, %dma_start3A_172] : memref<4096x200x128xf32, #tpu.memory_space<hbm>> -> memref<1x200x128xf32, #tpu.memory_space<hbm>>
      %dma_start3A_174 = tpu.memref_squeeze %dma_start3A_173 : memref<1x200x128xf32, #tpu.memory_space<hbm>> -> memref<200x128xf32, #tpu.memory_space<hbm>>
      %dma_start3A_175 = arith.constant 0 : i32
      %dma_start3A_176 = arith.constant 0 : i32
      %dma_start3A_177 = tpu.memref_slice %dma_start3A_174[%dma_start3A_175, %dma_start3A_176] : memref<200x128xf32, #tpu.memory_space<hbm>> -> memref<200x64xf32, #tpu.memory_space<hbm>>
      %dma_start3A_178 = arith.constant 0 : i32
      %dma_start3A_179 = arith.constant 0 : i32
      %dma_start3A_180 = tpu.memref_slice %arg4[%add3A_170, %dma_start3A_178, %dma_start3A_179] : memref<4096x200x128xf32, #tpu.memory_space<hbm>> -> memref<1x200x128xf32, #tpu.memory_space<hbm>>
      %dma_start3A_181 = tpu.memref_squeeze %dma_start3A_180 : memref<1x200x128xf32, #tpu.memory_space<hbm>> -> memref<200x128xf32, #tpu.memory_space<hbm>>
      %dma_start3A_182 = arith.constant 0 : i32
      %dma_start3A_183 = arith.constant 0 : i32
      %dma_start3A_184 = tpu.memref_slice %dma_start3A_181[%dma_start3A_182, %dma_start3A_183] : memref<200x128xf32, #tpu.memory_space<hbm>> -> memref<200x64xf32, #tpu.memory_space<hbm>>
      tpu.enqueue_dma source(%arg9 : memref<200x64xf32, #tpu.memory_space<vmem>>) target(%dma_start3A_184 : memref<200x64xf32, #tpu.memory_space<hbm>>) target_semaphore(%arg17 : memref<!tpu.dma_semaphore, #tpu.memory_space<semaphore_mem>>)
      %dma_wait3A_185 = arith.constant 0 : i32
      %dma_wait3A_186 = arith.constant 0 : i32
      %dma_wait3A_187 = tpu.memref_slice %arg4[%add3A_170, %dma_wait3A_185, %dma_wait3A_186] : memref<4096x200x128xf32, #tpu.memory_space<hbm>> -> memref<1x200x128xf32, #tpu.memory_space<hbm>>
      %dma_wait3A_188 = tpu.memref_squeeze %dma_wait3A_187 : memref<1x200x128xf32, #tpu.memory_space<hbm>> -> memref<200x128xf32, #tpu.memory_space<hbm>>
      %dma_wait3A_189 = arith.constant 0 : i32
      %dma_wait3A_190 = arith.constant 0 : i32
      %dma_wait3A_191 = tpu.memref_slice %dma_wait3A_188[%dma_wait3A_189, %dma_wait3A_190] : memref<200x128xf32, #tpu.memory_space<hbm>> -> memref<200x64xf32, #tpu.memory_space<hbm>>
      %dma_wait3A_192 = arith.constant 0 : i32
      %dma_wait3A_193 = arith.constant 0 : i32
      %dma_wait3A_194 = tpu.memref_slice %arg4[%add3A_170, %dma_wait3A_192, %dma_wait3A_193] : memref<4096x200x128xf32, #tpu.memory_space<hbm>> -> memref<1x200x128xf32, #tpu.memory_space<hbm>>
      %dma_wait3A_195 = tpu.memref_squeeze %dma_wait3A_194 : memref<1x200x128xf32, #tpu.memory_space<hbm>> -> memref<200x128xf32, #tpu.memory_space<hbm>>
      %dma_wait3A_196 = arith.constant 0 : i32
      %dma_wait3A_197 = arith.constant 0 : i32
      %dma_wait3A_198 = tpu.memref_slice %dma_wait3A_195[%dma_wait3A_196, %dma_wait3A_197] : memref<200x128xf32, #tpu.memory_space<hbm>> -> memref<200x64xf32, #tpu.memory_space<hbm>>
      tpu.wait_dma2 semaphore(%arg17 : memref<!tpu.dma_semaphore, #tpu.memory_space<semaphore_mem>>) src(%arg9 : memref<200x64xf32, #tpu.memory_space<vmem>>) dst(%dma_wait3A_198 : memref<200x64xf32, #tpu.memory_space<hbm>>)
      %add3A_199 = arith.constant 4 : i32
      %add3A_200 = arith.addi %add3A_164, %add3A_199 : i32
      %lt3A_201 = arith.constant 128 : i32
      %lt3A_202 = arith.cmpi slt, %add3A_200, %lt3A_201 : i32
      %convert_element_type3A_203 = arith.extui %lt3A_202 : i1 to i32
      %cond3A_204 = arith.constant 0 : i32
      %cond3A_205 = arith.cmpi ne, %convert_element_type3A_203, %cond3A_204 : i32
      scf.if %cond3A_205 {
        %add3A_206 = arith.constant 4 : i32
        %add3A_207 = arith.addi %add3A_164, %add3A_206 : i32
        %mul3A_208 = arith.constant 200 : i32
        %mul3A_209 = arith.muli %add3A_207, %mul3A_208 : i32
        %dma_start3A_210 = tpu.memref_slice %arg5[%mul3A_209] : memref<25600xi32, #tpu.memory_space<vmem>> -> memref<200xi32, #tpu.memory_space<vmem>>
        %dma_start3A_211 = arith.constant 0 : i32
        %dma_start3A_212 = arith.constant 0 : i32
        %dma_start3A_213 = tpu.memref_slice %arg3[%dma_start3A_211, %dma_start3A_212] : memref<2000000x64xf32, #tpu.memory_space<hbm>> -> memref<2000000x64xf32, #tpu.memory_space<hbm>>
        tpu.enqueue_indirect_dma source(%dma_start3A_213 : memref<2000000x64xf32, #tpu.memory_space<hbm>>) target(%arg9 : memref<200x64xf32, #tpu.memory_space<vmem>>) offsets(%dma_start3A_210 : memref<200xi32, #tpu.memory_space<vmem>>) semaphore(%arg13 : memref<!tpu.dma_semaphore, #tpu.memory_space<semaphore_mem>>)
      } else {
      }
    }
    %scan3A_28 = arith.constant 32 : i32
    return
  }
}

</mosaic_0001>

<sc_bundles>
// kernel: _gather.3.cloned.1.call-start
scs
__scs_entry_jumppad:
0x0: {  	(pc) =	sbr.rel $0x88, $3  }
0x1: {  	(tag) =	ssettag $0x0;
	lr =	simm.s32 $0x1  }
0x2: {  	[smem:$0x3F9F] =	sst lr;
	_ =	strace $0xD0000000  }
0x3: {  	_ = 	snop  }
0x4: {  	_ = 	snop  }
0x5: {  	_ = 	snop  }
0x6: {  	_ = 	snop  }
0x7: {  	_ = 	snop  }
__scs_overlays_trampoline_lowered:
0x8: {  	[smem:$0x3FAE] =	sst s0  }
0x9: {  	[smem:$0x3FAF] =	sst s1  }
0xa: {  	[smem:$0x3FB0] =	sst s2  }
0xb: {  	[smem:$0x3FB1] =	sst s3  }
0xc: {  	[smem:$0x3FB2] =	sst s4  }
0xd: {  	[smem:$0x3FB3] =	sst s5  }
0xe: {  	[smem:$0x3FB4] =	sst s6  }
0xf: {  	[smem:$0x3FB5] =	sst s7  }
0x10: {  	[smem:$0x3FB6] =	sst s8  }
0x11: {  	[smem:$0x3FB7] =	sst s9;
	s0 =	simm.s32 @!p0 $0x0  }
0x12: {  	s1 =	sld [smem:$0x3F9D];
	s0 =	simm.s32 @p0 $0x1  }
0x13: {  	[smem:$0x3FB8] =	sst s0;
	s0 =	simm.s32 @!p1 $0x0  }
0x14: {  	s2 =	sld [smem:$0x3F9C];
	s0 =	simm.s32 @p1 $0x1  }
0x15: {  	[smem:$0x3FB9] =	sst s0;
	s0 =	simm.s32 @!p2 $0x0  }
0x16: {  	s3 =	sld [smem:$0x3FDB];
	s0 =	simm.s32 @p2 $0x1  }
0x17: {  	s4 =	simm.s32 $0x1BF5;
	[smem:$0x3FBB] =	sst s0  }
0x18: {  	s0 =	sld [smem:$0x3F9E];
	_ =	swait.ge [sflag:s4], $0x0  }
0x19: {  	s7 =	sld [smem:$0x3F9F]  }
0x1a: {  	s8 =	sadd.s32 $0xFFFFE003, lr  }
0x1b: {  	s9 =	sadd.s32 $0xFFFFFEF7, lr;
	s5 =	simm.s32 $0xFFFFFFFF;
	p2 =	slt.u32 s8, $0xFFFFF086  }
0x1c: {  	p1 =	slt.u32 s9, $0xF7A;
	s5 =	simm.s32 @!p2 $0x0  }
0x1d: {  	s5 =	simm.s32 @p1 $0x1;
	p0 =	seq.s32 s7, s2  }
0x1e: {  	s7 =	smul.u32 @!p0 $0xF7A, s2;
	p2 =	seq.s32 @!p0 s5, $0x0  }
0x1f: {  	s9 =	smul.u32 $0xF7A, s1;
	s8 =	simm.s32 @!p0 $0x1BF5;
	p2 =	por !p2, p0  }
0x20: {  	[sflag:s8] =	ssyncset.s32 @!p0 $0xFFFFF086;
	s6 =	sadd.s32 @!p0 s3, s7;
	s7 =	simm.s32 @!p0 $0x108  }
0x21: {  	s3 =	sadd.s32 s3, s9;
	s6 =	sadd.s32 @!p0 $0x88, s6;
	s7 =	simm.s32 @p2 $0x1082  }
0x22: {  	[simem:s7], [sflag:s8] =	dma.local @!p0 [hbm:s6], $0xF7A  }
0x23: {  	s9 =	sor.u32 $0xD0000000, s2;
	s6 =	simm.s32 $0x108;
	_ =	swait.ge @!p0 [sflag:s8], $0x0  }
0x24: {  	s3 =	sadd.s32 $0x88, s3;
	s6 =	simm.s32 @!p1 $0x1082;
	[sflag:s4] =	ssyncset.s32 $0xFFFFF086  }
0x25: {  	[simem:s6], [sflag:s4] =	dma.local [hbm:s3], $0xF7A  }
0x26: {  	[smem:$0x3F9F] =	sst s1;
	(tag) =	ssettag s2;
	_ =	strace s9  }
0x27: {  	s1 =	sld [smem:$0x3FAF]  }
0x28: {  	s2 =	sld [smem:$0x3FB0]  }
0x29: {  	s4 =	sld [smem:$0x3FB2]  }
0x2a: {  	p0 =	seq.s32 s5, $0x0;
	s5 =	sld [smem:$0x3FB3]  }
0x2b: {  	s6 =	sld [smem:$0x3FB4]  }
0x2c: {  	s7 =	sld [smem:$0x3FB5]  }
0x2d: {  	s3 =	simm.s32 $0x108;
	s8 =	sld [smem:$0x3FB6]  }
0x2e: {  	s3 =	simm.s32 @!p0 $0x1082;
	s9 =	sld [smem:$0x3FB7]  }
0x2f: {  	lr =	sadd.s32 s0, s3;
	s0 =	sld [smem:$0x3FAE]  }
0x30: {  	s3 =	sld [smem:$0x3FB1]  }
0x31: {  	[smem:$0x3FBA] =	sst s10  }
0x32: {  	s10 =	sld [smem:$0x3FB8];
	_ =	sdelay $0x3  }
0x33: {  	p0 =	seq.s32 s10, $0x1;
	s10 =	sld [smem:$0x3FBA];
	_ =	sdelay $0x3  }
0x34: {  	[smem:$0x3FBA] =	sst s10  }
0x35: {  	s10 =	sld [smem:$0x3FB9];
	_ =	sdelay $0x3  }
0x36: {  	p1 =	seq.s32 s10, $0x1;
	s10 =	sld [smem:$0x3FBA];
	_ =	sdelay $0x3  }
0x37: {  	[smem:$0x3FBA] =	sst s10  }
0x38: {  	s10 =	sld [smem:$0x3FBB]  }
0x39: {  	_ = 	snop;
	(pc) =	sbr.ind lr, $3  }
0x3a: {  	_ = 	snop  }
0x3b: {  	_ = 	snop  }
0x3c: {  	p2 =	seq.s32 s10, $0x1;
	s10 =	sld [smem:$0x3FBA]  }
0x3d: {  	_ =	shalt  }
0x3e: {  	_ =	shalt  }
0x3f: {  	_ =	shalt  }
0x40: {  	_ =	shalt  }
0x41: {  	_ =	shalt  }
0x42: {  	_ =	shalt  }
0x43: {  	_ =	shalt  }
0x44: {  	_ =	shalt  }
0x45: {  	_ =	shalt  }
0x46: {  	_ =	shalt  }
0x47: {  	_ =	shalt  }
0x48: {  	_ =	shalt  }
0x49: {  	_ =	shalt  }
0x4a: {  	_ =	shalt  }
0x4b: {  	_ =	shalt  }
0x4c: {  	_ =	shalt  }
0x4d: {  	_ =	shalt  }
0x4e: {  	_ =	shalt  }
0x4f: {  	_ =	shalt  }
0x50: {  	_ =	shalt  }
0x51: {  	_ =	shalt  }
0x52: {  	_ =	shalt  }
0x53: {  	_ =	shalt  }
0x54: {  	_ =	shalt  }
0x55: {  	_ =	shalt  }
0x56: {  	_ =	shalt  }
0x57: {  	_ =	shalt  }
0x58: {  	_ =	shalt  }
0x59: {  	_ =	shalt  }
0x5a: {  	_ =	shalt  }
0x5b: {  	_ =	shalt  }
0x5c: {  	_ =	shalt  }
0x5d: {  	_ =	shalt  }
0x5e: {  	_ =	shalt  }
0x5f: {  	_ =	shalt  }
0x60: {  	_ =	shalt  }
0x61: {  	_ =	shalt  }
0x62: {  	_ =	shalt  }
0x63: {  	_ =	shalt  }
0x64: {  	_ =	shalt  }
0x65: {  	_ =	shalt  }
0x66: {  	_ =	shalt  }
0x67: {  	_ =	shalt  }
0x68: {  	_ =	shalt  }
0x69: {  	_ =	shalt  }
0x6a: {  	_ =	shalt  }
0x6b: {  	_ =	shalt  }
0x6c: {  	_ =	shalt  }
0x6d: {  	_ =	shalt  }
0x6e: {  	_ =	shalt  }
0x6f: {  	_ =	shalt  }
0x70: {  	_ =	shalt  }
0x71: {  	_ =	shalt  }
0x72: {  	_ =	shalt  }
0x73: {  	_ =	shalt  }
0x74: {  	_ =	shalt  }
0x75: {  	_ =	shalt  }
0x76: {  	_ =	shalt  }
0x77: {  	_ =	shalt  }
0x78: {  	_ =	shalt  }
0x79: {  	_ =	shalt  }
0x7a: {  	_ =	shalt  }
0x7b: {  	_ =	shalt  }
0x7c: {  	_ =	shalt  }
0x7d: {  	_ =	shalt  }
0x7e: {  	_ =	shalt  }
0x7f: {  	_ =	shalt  }
0x80: {  	_ =	shalt  }
0x81: {  	_ =	shalt  }
0x82: {  	_ =	shalt  }
0x83: {  	_ =	shalt  }
0x84: {  	_ =	shalt  }
0x85: {  	_ =	shalt  }
0x86: {  	_ =	shalt  }
0x87: {  	_ =	shalt  }
.Lfunc_end0:
.L_simem_size_0:
called_computation_lowered:
.L_overlay_start_0:
0x88: {  	s2 =	sld [smem:$0x3FD9]  }
0x89: {  	s3 =	sld [smem:$0x3FFE];
	_ =	sdelay $0x1  }
0x8a: {  	s1 =	srdreg.scid  }
0x8b: {  	s0 =	sand.u32 $0x1, s1  }
0x8c: {  	s17 =	sshll.u32 s0, $0xA;
	s2 =	sadd.s32 s3, s2  }
0x8d: {  	s2 =	sadd.s32 s2, s17  }
0x8e: {  	[smem:$0x3FC6] =	sst s2  }
0x8f: {  	_ = 	snop  }
0x90: {  	s2 =	sld [smem:$0x3FC9]  }
0x91: {  	s18 =	sld [smem:$0x3FD0];
	(tm) =	ssettm $0x1  }
0x92: {  	s4 =	sld [smem:$0x3FFB];
	_ =	sdelay $0x3  }
0x93: {  	_ =	strace s4  }
0x94: {  	s4 =	sld [smem:$0x3FFC];
	_ =	sdelay $0x3  }
0x95: {  	_ =	strace s4  }
0x96: {  	s4 =	sld [smem:$0x3FFD];
	_ =	sdelay $0x3  }
0x97: {  	_ =	strace s4  }
0x98: {  	_ =	strace $0x8FFFFFFF  }
0x99: {  	s19 =	sld [smem:$0x3FDB];
	_ =	sdelay $0x1  }
0x9a: {  	s5 =	simm.s32 $_scs_section_size  }
0x9b: {  	s6 =	simm.s32 $_size__tile_overlayer_lowered;
	s7 =	simm.s32 $_tile_overlayer_lowered  }
0x9c: {  	s22 =	simm.s32 $0x1BFF;
	s21 =	sshll.u32 s7, $0x1;
	s4 =	sadd.s32 s5, s19  }
0x9d: {  	s8 =	simm.s32 $0x0;
	s20 =	sshll.u32 s6, $0x1;
	s6 =	sadd.s32 s21, s4  }
0x9e: {  	[timem:s8], [sflag:s22] =	dma.local [hbm:s6], s20  }
0x9f: {  	_ =	swait.ge [sflag:s22], s20  }
0xa0: {  	s5 =	ssub.s32 $0x0, s20;
	[sflag:s22] =	ssyncset.done $0x0  }
0xa1: {  	[sflag:s22] =	ssyncadd.s32 s5;
	_ =	sdelay $0x1  }
0xa2: {  	s23 =	simm.s32 $0x1B8B  }
0xa3: {  	_ =	swait.ge [sflag:s23], $0x1  }
0xa4: {  	[sflag:s23] =	ssyncset.done $0x0  }
0xa5: {  	s25 =	simm.s32 $0x1B8E;
	s24 =	sld [smem:$0x3FFE];
	[sflag:s23] =	ssyncadd.s32 $0xFFFFFFFF  }
0xa6: {  	s26 =	simm.s32 $execute0_lowered;
	[smem:$0x3FD2] =	sst s25  }
0xa7: {  	s6 =	sshll.u32 s26, $0x1;
	_ =	strace $0x80000046;
	[dreg:$0x1] =	wrdreg $0xFFFFFFFF  }
0xa8: {  	s28 =	simm.s32 $_size_execute0_lowered;
	s4 =	sadd.s32 s4, s6;
	[dreg:$0x0] =	wrdreg $0x0  }
0xa9: {  	s6 =	sshll.u32 s28, $0x1;
	[dreg:$0x2] =	wrdreg s4  }
0xaa: {  	[dreg:$0x3] =	wrdreg s6  }
0xab: {  	[dreg:$0x4] =	wrdreg $0xC0  }
0xac: {  	_ =	task [dreg:s8], $0x5FFFF  }
0xad: {  	[dreg:$0x1] =	wrdreg $0xFFFFFFFF  }
0xae: {  	[dreg:$0x0] =	wrdreg $0x60  }
0xaf: {  	[dreg:$0x2] =	wrdreg s2  }
0xb0: {  	[dreg:$0x3] =	wrdreg s24  }
0xb1: {  	[dreg:$0x4] =	wrdreg s18  }
0xb2: {  	[dreg:$0x5] =	wrdreg $0x9  }
0xb3: {  	_ =	task.clear_ibuf [dreg:s8], $0x6FFFF;
	_ =	strace $0x90000046  }
0xb4: {  	s29 =	simm.s32 $0x9;
	_ =	strace $0x80000048  }
0xb5: {  	_ =	swait.ge [sflag:s29], $0x1  }
0xb6: {  	[sflag:s29] =	ssyncadd.s32 $0xFFFFFFFF  }
0xb7: {  	_ =	strace $0x90000048  }
0xb8: {  	_ =	sfence  }
0xb9: {  	s30 =	sld [smem:$0x0];
	_ =	sdelay $0x2  }
0xba: {  	s31 =	sshll.u32 s1, $0xD;
	s1 =	sshrl.u32 s1, $0x2  }
0xbb: {  	s3 =	sand.u32 $0x4000, s31;
	s1 =	sadd.s32 s1, s30  }
0xbc: {  	s0 =	sor.u32 s3, s0;
	s1 =	sshll.u32 s1, $0x11  }
0xbd: {  	s0 =	sor.u32 s1, s0  }
0xbe: {  	s0 =	sadd.s32 $0x8F2B, s0  }
0xbf: {  	[sflag:s0] =	ssyncadd.remote.s32 $0x1  }
0xc0: {  	_ =	sfence.sel $0xFFFF  }
0xc1: {  	[dreg:$0x0] =	wrdreg $0xFFFFFFFF;
	(pc) =	sbr.abs _section_cstart, $3  }
0xc2: {  	[dreg:$0x1] =	wrdreg $0xFFFFFFFF  }
0xc3: {  	_ =	task.clear_ibuf [dreg:s8], $0x2FFFF;
	_ =	strace $0x9FFFFFFF  }
0xc4: {  	(tm) =	ssettm $0x7FFFFFFF  }
0xc5: {  	_ =	shalt  }
tec
execute0_lowered:
.L_overlay_start_1:
0x0: {  	(tag) =	ssettag $0x1  }
0x1: {  	s4 =	rddreg [dreg:$0x0]  }
0x2: {  	s3 =	rddreg [dreg:$0x1];
	s1 =	srdreg.scid  }
0x3: {  	s0 =	stileid.u32;
	s5 =	rddreg [dreg:$0x2];
	s2 =	simm.s32 $0x0  }
0x4: {  	s11 =	simm.s32 $0x190;
	s12 =	simm.s32 $0xC800;
	s13 =	simm.s32 $0x258  }
0x5: {  	s14 =	simm.s32 $0xFA00;
	s15 =	simm.s32 $0x1;
	s16 =	simm.s32 $0x40  }
0x6: {  	s17 =	simm.s32 $0x80;
	s18 =	simm.s32 $0x5;
	s19 =	simm.s32 $0x2  }
0x7: {  	s20 =	simm.s32 $0x6;
	s21 =	simm.s32 $0x3;
	s22 =	simm.s32 $0x7  }
0x8: {  	s23 =	simm.s32 $0x4;
	s24 =	simm.s32 $0x8;
	s25 =	simm.s32 $0x0  }
0x9: {  	s6 =	sand.u32 $0x1, s1;
	s7 =	sshll.u32 s0, $0x1;
	s9 =	smul.u32 $0xC8000, s0  }
0xa: {  	s7 =	sor.u32 s6, s7;
	s8 =	ssub.s32 $0x2, s6;
	s6 =	smul.u32 $0x64000, s6  }
.Ltmp0:
0xb: {  	[smem:$0x7FF] =	sst s2;
	s3 =	sadd.s32 $0x1E84C00, s3;
	(pc) =	sbr.rel .LBB2_1-.Ltmp0, $4  }
0xc: {  	_ =	strace $0x80000047;
	s7 =	smul.u32 $0xC80, s7;
	s10 =	sshrl.u32 s8, $0x1  }
0xd: {  	s31 =	sadd.s32 s9, s5;
	s9 =	simm.s32 $0x6400;
	s8 =	ssub.s32 s8, s10  }
0xe: {  	s6 =	sadd.s32 s6, s31;
	s10 =	simm.s32 $0x9600;
	s4 =	sadd.s32 s4, s7  }
0xf: {  	s5 =	smax.u32 s8, $0x1;
	s7 =	simm.s32 $0x9;
	s8 =	simm.s32 $0xC8  }
.LBB2_4:
0x10: {  	s25 =	sadd.s32 $0x1, s25  }
0x11: {  	p0 =	sne.s32 s25, s5  }
.Ltmp1:
0x12: {  	_ = 	snop;
	(pc) =	sbr.rel @!p0 .LBB2_5-.Ltmp1, $1  }
0x13: {  	_ =	sdelay $0x3  }
.LBB2_1:
0x14: {  	[tilespmem:s2], [sflag:$0x9] =	stream.linear.gather [hbm4b:s4+s2], $0x6400, $0x38;
	[tilespmem:$0x12C00] =	vst v63  }
0x15: {  	_ =	swait.ge [sflag:s7], $0x6400  }
0x16: {  	[sflag:s7] =	ssyncset.done $0x0  }
0x17: {  	[sflag:s7] =	ssyncadd.s32 $0xFFFF9C00  }
0x18: {  	[tilespmem:s9], [sflag:$0x1] =	stream.indirect.gather [hbm4b:s3+s8], $0x40, s2, s8, $0xb8;
	[tilespmem:$0x12C00] =	vst v63  }
0x19: {  	_ = 	snop  }
0x1a: {  	[tilespmem:s10], [sflag:$0x2] =	stream.indirect.gather [hbm4b:s3+s8], $0x40, s8, s8, $0xb8;
	[tilespmem:$0x12C00] =	vst v63  }
0x1b: {  	_ = 	snop  }
0x1c: {  	[tilespmem:s12], [sflag:$0x3] =	stream.indirect.gather [hbm4b:s3+s8], $0x40, s11, s8, $0xb8;
	[tilespmem:$0x12C00] =	vst v63  }
0x1d: {  	s26 =	smov.u32 s6;
	s28 =	simm.s32 $0x0  }
0x1e: {  	[tilespmem:s14], [sflag:$0x4] =	stream.indirect.gather [hbm4b:s3+s8], $0x40, s13, s8, $0xb8;
	[tilespmem:$0x12C00] =	vst v63  }
.LBB2_2:
0x1f: {  	_ =	swait.ge [sflag:s15], $0x3200  }
0x20: {  	[sflag:s15] =	ssyncset.done $0x0  }
0x21: {  	[sflag:s15] =	ssyncadd.s32 $0xFFFFCE00  }
0x22: {  	[hbm4b:s26+s16] =	stream.strided.scatter [tilespmem:s9], [sflag:$0x5], $0x3200, s17, s16, $0x38;
	[tilespmem:$0x12C00] =	vst v63  }
0x23: {  	p0 =	seq.s32 s28, $0x18380;
	_ =	swait.ge [sflag:s18], $0x3200  }
0x24: {  	s29 =	sshra.s32 @!p0 s28, $0x2;
	s31 =	simm.s32 @!p0 $0xC8;
	[sflag:s18] =	ssyncset.done $0x0  }
0x25: {  	s1 =	simm.s32 @!p0 $0x6400;
	s30 =	sadd.s32 @!p0 $0x320, s29;
	[sflag:s18] =	ssyncadd.s32 $0xFFFFCE00  }
0x26: {  	[tilespmem:s1], [sflag:$0x1] =	stream.indirect.gather @!p0 [hbm4b:s3+s31], $0x40, s30, s31, $0xb8;
	[tilespmem:$0x12C00] =	vst v63  }
0x27: {  	_ =	swait.ge [sflag:s19], $0x3200  }
0x28: {  	[sflag:s19] =	ssyncset.done $0x0  }
0x29: {  	s30 =	sadd.s32 $0xC80, s26;
	[sflag:s19] =	ssyncadd.s32 $0xFFFFCE00  }
0x2a: {  	[hbm4b:s30+s16] =	stream.strided.scatter [tilespmem:s10], [sflag:$0x6], $0x3200, s17, s16, $0x38;
	[tilespmem:$0x12C00] =	vst v63  }
0x2b: {  	_ =	swait.ge [sflag:s20], $0x3200  }
0x2c: {  	[sflag:s20] =	ssyncset.done $0x0  }
0x2d: {  	s1 =	sadd.s32 @!p0 $0x3E8, s29;
	s30 =	simm.s32 @!p0 $0x9600;
	[sflag:s20] =	ssyncadd.s32 $0xFFFFCE00  }
0x2e: {  	[tilespmem:s30], [sflag:$0x2] =	stream.indirect.gather @!p0 [hbm4b:s3+s31], $0x40, s1, s31, $0xb8;
	[tilespmem:$0x12C00] =	vst v63  }
0x2f: {  	_ =	swait.ge [sflag:s21], $0x3200  }
0x30: {  	[sflag:s21] =	ssyncset.done $0x0  }
0x31: {  	s30 =	sadd.s32 $0x1900, s26;
	[sflag:s21] =	ssyncadd.s32 $0xFFFFCE00  }
0x32: {  	[hbm4b:s30+s16] =	stream.strided.scatter [tilespmem:s12], [sflag:$0x7], $0x3200, s17, s16, $0x38;
	[tilespmem:$0x12C00] =	vst v63  }
0x33: {  	_ =	swait.ge [sflag:s22], $0x3200  }
0x34: {  	[sflag:s22] =	ssyncset.done $0x0  }
0x35: {  	s1 =	sadd.s32 @!p0 $0x4B0, s29;
	s29 =	simm.s32 @!p0 $0xC800;
	[sflag:s22] =	ssyncadd.s32 $0xFFFFCE00  }
0x36: {  	[tilespmem:s29], [sflag:$0x3] =	stream.indirect.gather @!p0 [hbm4b:s3+s31], $0x40, s1, s31, $0xb8;
	[tilespmem:$0x12C00] =	vst v63  }
0x37: {  	_ =	swait.ge [sflag:s23], $0x3200  }
0x38: {  	[sflag:s23] =	ssyncset.done $0x0  }
.Ltmp2:
0x39: {  	s31 =	sadd.s32 $0x2580, s26;
	[sflag:s23] =	ssyncadd.s32 $0xFFFFCE00;
	(pc) =	sbr.rel @p0 .LBB2_4-.Ltmp2, $4  }
0x3a: {  	[hbm4b:s31+s16] =	stream.strided.scatter [tilespmem:s14], [sflag:$0x8], $0x3200, s17, s16, $0x38;
	[tilespmem:$0x12C00] =	vst v63  }
0x3b: {  	_ =	swait.ge [sflag:s24], $0x3200  }
0x3c: {  	[sflag:s24] =	ssyncset.done $0x0  }
0x3d: {  	[sflag:s24] =	ssyncadd.s32 $0xFFFFCE00  }
.Ltmp3:
0x3e: {  	(pc) =	sbr.rel .LBB2_2-.Ltmp3, $4  }
0x3f: {  	_ = 	snop  }
0x40: {  	s1 =	sshra.s32 s28, $0x2  }
0x41: {  	s28 =	sadd.s32 $0xC80, s28;
	s26 =	sadd.s32 $0x3200, s26;
	s1 =	sadd.s32 $0x578, s1  }
0x42: {  	[tilespmem:s14], [sflag:$0x4] =	stream.indirect.gather [hbm4b:s3+s8], $0x40, s1, s8, $0xb8;
	[tilespmem:$0x12C00] =	vst v63  }
.LBB2_5:
0x43: {  	_ =	sfence.sel $0x180000  }
0x44: {  	[bflag:$0x0] =	sbarrier.arrive $0xFFFF  }
0x45: {  	_ =	strace $0x90000047  }
0x46: {  	[bflag:$0x2] =	sbarrier.arrive $0xFFFF  }
0x47: {  	p0 =	sne.s32 s0, $0x0;
	s0 =	rddreg [dreg:$0x3]  }
0x48: {  	s0 =	sadd.s32 @!p0 $0x100000, s0  }
0x49: {  	[sflag:s0] =	ssyncadd.tile.s32 @!p0 $0x1;
	_ =	shalt  }
.Lfunc_end2:
_tile_overlayer_lowered:
.L_overlay_start_2:
0x4a: {  	(tag) =	ssettag $0x2  }
0x4b: {  	s0 =	rddreg [dreg:$0x0];
	s2 =	stileid.u32  }
0x4c: {  	s1 =	rddreg [dreg:$0x1];
	p0 =	sne.s32 s2, $0x0  }
0x4d: {  	s3 =	rddreg [dreg:$0x2];
	[bflag:$0x3] =	sbarrier.arrive $0xFFFF;
	s2 =	simm.s32 @!p0 $0x1C09  }
0x4e: {  	[timem:s3], [sflag:s2] =	dma.local @!p0 [hbm:s0], s1  }
0x4f: {  	s0 =	simm.s32 @!p0 $0x9  }
0x50: {  	_ =	swait.ge @!p0 [sflag:s0], s1  }
0x51: {  	s1 =	ssub.s32 @!p0 $0x0, s1;
	[sflag:s0] =	ssyncset.done @!p0 $0x0  }
0x52: {  	[sflag:s0] =	ssyncadd.s32 @!p0 s1  }
0x53: {  	[bflag:$0x3] =	sbarrier.arrive $0xFFFF  }
0x54: {  	_ =	shalt  }

</sc_bundles>
